<compile_context>
chip_gen: v7x
topology: tpu7x:2x2x1
jax: 0.10.2.dev20260603
libtpu: 0.0.44.dev20260713+nightly
codegen_flags: <defaults>
</compile_context>

<pallas_src>
import functools

import jax
import jax.numpy as jnp
from jax import lax
from jax.experimental import pallas as pl
from jax.experimental.pallas import tpu as pltpu
from jax.experimental.pallas import tpu_sc as plsc

SEQ_BLK = 2048

NUM_WORKERS = 32
ROW_CHUNK = 64


def _add_kernel(x_ref, e_ref, o_ref):
    o_ref[0] = x_ref[0] + e_ref[...]


def _kernel_tc(x, emb_table):
    B, S, D = x.shape
    grid = (S // SEQ_BLK, B)
    return pl.pallas_call(
        _add_kernel,
        grid=grid,
        in_specs=[
            pl.BlockSpec((1, SEQ_BLK, D), lambda s, b: (b, s, 0)),
            pl.BlockSpec((SEQ_BLK, D), lambda s, b: (s, 0)),
        ],
        out_specs=pl.BlockSpec((1, SEQ_BLK, D), lambda s, b: (b, s, 0)),
        out_shape=jax.ShapeDtypeStruct((B, S, D), x.dtype),
    )(x, emb_table)


def _kernel_sc(x, emb_table, n_rows=None):
    B, S, D = x.shape
    N = B * S if n_rows is None else n_rows
    rows_per_worker = N // NUM_WORKERS
    n_chunks = rows_per_worker // ROW_CHUNK
    xf = x.reshape(B * S, D)
    pos = jnp.arange(S, dtype=jnp.int32)
    mesh = plsc.VectorSubcoreMesh(core_axis_name="c", subcore_axis_name="s")

    @functools.partial(
        pl.kernel,
        mesh=mesh,
        out_type=jax.ShapeDtypeStruct((N, D), jnp.float32),
        scratch_types=[
            pltpu.VMEM((ROW_CHUNK, D), jnp.float32),
            pltpu.VMEM((ROW_CHUNK,), jnp.int32),
            pltpu.SemaphoreType.DMA,
        ],
    )
    def sc_body(xf_hbm, pos_hbm, emb_hbm, out_hbm, xv, idx_v, sem):
        wid = lax.axis_index("c") * 16 + lax.axis_index("s")
        base = wid * rows_per_worker

        def chunk(c, carry):
            row0 = base + c * ROW_CHUNK
            s0 = lax.rem(row0, S)
            pltpu.sync_copy(xf_hbm.at[pl.ds(row0, ROW_CHUNK), :], xv)
            pltpu.sync_copy(pos_hbm.at[pl.ds(s0, ROW_CHUNK)], idx_v)
            pltpu.async_copy(emb_hbm.at[idx_v], xv, sem, add=True).wait()
            pltpu.sync_copy(xv, out_hbm.at[pl.ds(row0, ROW_CHUNK), :])
            return carry

        lax.fori_loop(0, n_chunks, chunk, 0)

    out = sc_body(xf, pos, emb_table)
    return out


def kernel(x, emb_table):
    if x.ndim == 2:
        return kernel(x[None], emb_table)[0]
    return _kernel_sc(x, emb_table).reshape(x.shape)

# --- scband reference (transcript-rebuilt; emitter-appended) ---
"""Pipeline reference for scband-positional-encoding-52793738002998 (READ-ONLY COPY).

The authoritative reference and input builder live on the scoring server;
editing this copy changes nothing except your own understanding.
"""

import jax, jax.numpy as jnp
import numpy as np

D_MODEL = 1024
NUM_POSITIONS = 8192

def setup_inputs(seed: int = 0) -> dict:
    key = jax.random.key(seed)
    k1, k2 = jax.random.split(key)
    x = jax.random.normal(k1, (4, 4096, D_MODEL), dtype=jnp.float32)
    emb_table = jax.random.normal(k2, (NUM_POSITIONS, D_MODEL), dtype=jnp.float32)
    return {"x": x, "emb_table": emb_table}

def reference(x, emb_table):
    # PositionalEncoding.forward, eval mode (dropout = identity)
    if x.ndim == 3:
        seq_len = x.shape[1]
        indices = jnp.arange(seq_len)
        pos_emb = jnp.take(emb_table, indices, axis=0)[None, :, :]
        return x + pos_emb
    else:
        seq_len = x.shape[0]
        indices = jnp.arange(seq_len)
        pos_emb = jnp.take(emb_table, indices, axis=0)
        return x + pos_emb

if __name__ == "__main__":
    import jax
    _d = setup_inputs()
    print(jax.jit(kernel)(*tuple(_d.values())))

</pallas_src>

<mosaic_0001>
#map = affine_map<(d0, d1) -> (0, 0)>
#map1 = affine_map<(d0, d1) -> (0)>
module attributes {stable_mosaic.version = 14 : i64} {
  func.func @sc_body(%arg0: i32, %arg1: i32, %arg2: memref<16384x1024xf32, #tpu.memory_space<hbm>>, %arg3: memref<4096xi32, #tpu.memory_space<hbm>>, %arg4: memref<8192x1024xf32, #tpu.memory_space<hbm>>, %arg5: memref<16384x1024xf32, #tpu.memory_space<hbm>>, %arg6: memref<64x1024xf32, #tpu.memory_space<vmem>>, %arg7: memref<64xi32, #tpu.memory_space<vmem>>, %arg8: memref<!tpu.dma_semaphore, #tpu.memory_space<semaphore_mem>>) attributes {dimension_semantics = [#tpu.dimension_semantics<core_parallel>, #tpu.dimension_semantics<subcore_parallel>], iteration_bounds = array<i64: 2, 16>, scalar_prefetch = 0 : i64, scratch_operands = 3 : i64, tpu.core_type = #tpu.core_type<sc_vector_subcore>, window_params = [{transform_indices = #map}, {transform_indices = #map1}, {transform_indices = #map}, {transform_indices = #map}]} {
    %mul3A = arith.constant 16 : i32
    %mul3A_0 = arith.muli %arg0, %mul3A : i32
    %add3A = arith.addi %mul3A_0, %arg1 : i32
    %mul3A_1 = arith.constant 512 : i32
    %mul3A_2 = arith.muli %add3A, %mul3A_1 : i32
    %scan3A = arith.constant 0 : i32
    %scan3A_3 = arith.constant 0 : i32
    %scan3A_4 = arith.constant 8 : i32
    %scan3A_5 = arith.addi %scan3A_3, %scan3A_4 : i32
    %scan3A_6 = arith.constant 1 : i32
    scf.for %scan3A_8 = %scan3A_3 to %scan3A_5 step %scan3A_6  : i32 {
      %mul3A_9 = arith.constant 64 : i32
      %mul3A_10 = arith.muli %scan3A_8, %mul3A_9 : i32
      %add3A_11 = arith.addi %mul3A_2, %mul3A_10 : i32
      %rem3A = arith.constant 4096 : i32
      %rem3A_12 = arith.remsi %add3A_11, %rem3A : i32
      "tpu.region"() ({
        %run_scoped3A = tpu.sem_alloc : memref<!tpu.dma_semaphore, #tpu.memory_space<semaphore_mem>>
        %dma_start3A_17 = arith.constant 0 : i32
        %dma_start3A_18 = tpu.memref_slice %arg2[%add3A_11, %dma_start3A_17] : memref<16384x1024xf32, #tpu.memory_space<hbm>> -> memref<64x1024xf32, #tpu.memory_space<hbm>>
        %dma_start3A_19 = arith.constant 0 : i32
        %dma_start3A_20 = tpu.memref_slice %arg2[%add3A_11, %dma_start3A_19] : memref<16384x1024xf32, #tpu.memory_space<hbm>> -> memref<64x1024xf32, #tpu.memory_space<hbm>>
        tpu.enqueue_dma source(%dma_start3A_20 : memref<64x1024xf32, #tpu.memory_space<hbm>>) target(%arg6 : memref<64x1024xf32, #tpu.memory_space<vmem>>) target_semaphore(%run_scoped3A : memref<!tpu.dma_semaphore, #tpu.memory_space<semaphore_mem>>)
        %dma_wait3A_21 = arith.constant 0 : i32
        %dma_wait3A_22 = tpu.memref_slice %arg2[%add3A_11, %dma_wait3A_21] : memref<16384x1024xf32, #tpu.memory_space<hbm>> -> memref<64x1024xf32, #tpu.memory_space<hbm>>
        %dma_wait3A_23 = arith.constant 0 : i32
        %dma_wait3A_24 = tpu.memref_slice %arg2[%add3A_11, %dma_wait3A_23] : memref<16384x1024xf32, #tpu.memory_space<hbm>> -> memref<64x1024xf32, #tpu.memory_space<hbm>>
        tpu.wait_dma2 semaphore(%run_scoped3A : memref<!tpu.dma_semaphore, #tpu.memory_space<semaphore_mem>>) src(%dma_wait3A_24 : memref<64x1024xf32, #tpu.memory_space<hbm>>) dst(%arg6 : memref<64x1024xf32, #tpu.memory_space<vmem>>)
        tpu.yield
      }) : () -> ()
      "tpu.region"() ({
        %run_scoped3A = tpu.sem_alloc : memref<!tpu.dma_semaphore, #tpu.memory_space<semaphore_mem>>
        %dma_start3A_17 = tpu.memref_slice %arg3[%rem3A_12] : memref<4096xi32, #tpu.memory_space<hbm>> -> memref<64xi32, #tpu.memory_space<hbm>>
        %dma_start3A_18 = tpu.memref_slice %arg3[%rem3A_12] : memref<4096xi32, #tpu.memory_space<hbm>> -> memref<64xi32, #tpu.memory_space<hbm>>
        tpu.enqueue_dma source(%dma_start3A_18 : memref<64xi32, #tpu.memory_space<hbm>>) target(%arg7 : memref<64xi32, #tpu.memory_space<vmem>>) target_semaphore(%run_scoped3A : memref<!tpu.dma_semaphore, #tpu.memory_space<semaphore_mem>>)
        %dma_wait3A_19 = tpu.memref_slice %arg3[%rem3A_12] : memref<4096xi32, #tpu.memory_space<hbm>> -> memref<64xi32, #tpu.memory_space<hbm>>
        %dma_wait3A_20 = tpu.memref_slice %arg3[%rem3A_12] : memref<4096xi32, #tpu.memory_space<hbm>> -> memref<64xi32, #tpu.memory_space<hbm>>
        tpu.wait_dma2 semaphore(%run_scoped3A : memref<!tpu.dma_semaphore, #tpu.memory_space<semaphore_mem>>) src(%dma_wait3A_20 : memref<64xi32, #tpu.memory_space<hbm>>) dst(%arg7 : memref<64xi32, #tpu.memory_space<vmem>>)
        tpu.yield
      }) : () -> ()
      %dma_start3A = arith.constant 0 : i32
      %dma_start3A_13 = arith.constant 0 : i32
      %dma_start3A_14 = tpu.memref_slice %arg4[%dma_start3A, %dma_start3A_13] : memref<8192x1024xf32, #tpu.memory_space<hbm>> -> memref<8192x1024xf32, #tpu.memory_space<hbm>>
      tpu.enqueue_indirect_dma source(%dma_start3A_14 : memref<8192x1024xf32, #tpu.memory_space<hbm>>) target(%arg6 : memref<64x1024xf32, #tpu.memory_space<vmem>>) offsets(%arg7 : memref<64xi32, #tpu.memory_space<vmem>>) semaphore(%arg8 : memref<!tpu.dma_semaphore, #tpu.memory_space<semaphore_mem>>) {add = true}
      %dma_wait3A = arith.constant 0 : i32
      %dma_wait3A_15 = arith.constant 0 : i32
      %dma_wait3A_16 = tpu.memref_slice %arg4[%dma_wait3A, %dma_wait3A_15] : memref<8192x1024xf32, #tpu.memory_space<hbm>> -> memref<8192x1024xf32, #tpu.memory_space<hbm>>
      tpu.wait_indirect_dma semaphore(%arg8 : memref<!tpu.dma_semaphore, #tpu.memory_space<semaphore_mem>>) src(%dma_wait3A_16 : memref<8192x1024xf32, #tpu.memory_space<hbm>>) dst(%arg6 : memref<64x1024xf32, #tpu.memory_space<vmem>>)
      "tpu.region"() ({
        %run_scoped3A = tpu.sem_alloc : memref<!tpu.dma_semaphore, #tpu.memory_space<semaphore_mem>>
        %dma_start3A_17 = arith.constant 0 : i32
        %dma_start3A_18 = tpu.memref_slice %arg5[%add3A_11, %dma_start3A_17] : memref<16384x1024xf32, #tpu.memory_space<hbm>> -> memref<64x1024xf32, #tpu.memory_space<hbm>>
        %dma_start3A_19 = arith.constant 0 : i32
        %dma_start3A_20 = tpu.memref_slice %arg5[%add3A_11, %dma_start3A_19] : memref<16384x1024xf32, #tpu.memory_space<hbm>> -> memref<64x1024xf32, #tpu.memory_space<hbm>>
        tpu.enqueue_dma source(%arg6 : memref<64x1024xf32, #tpu.memory_space<vmem>>) target(%dma_start3A_20 : memref<64x1024xf32, #tpu.memory_space<hbm>>) target_semaphore(%run_scoped3A : memref<!tpu.dma_semaphore, #tpu.memory_space<semaphore_mem>>)
        %dma_wait3A_21 = arith.constant 0 : i32
        %dma_wait3A_22 = tpu.memref_slice %arg5[%add3A_11, %dma_wait3A_21] : memref<16384x1024xf32, #tpu.memory_space<hbm>> -> memref<64x1024xf32, #tpu.memory_space<hbm>>
        %dma_wait3A_23 = arith.constant 0 : i32
        %dma_wait3A_24 = tpu.memref_slice %arg5[%add3A_11, %dma_wait3A_23] : memref<16384x1024xf32, #tpu.memory_space<hbm>> -> memref<64x1024xf32, #tpu.memory_space<hbm>>
        tpu.wait_dma2 semaphore(%run_scoped3A : memref<!tpu.dma_semaphore, #tpu.memory_space<semaphore_mem>>) src(%arg6 : memref<64x1024xf32, #tpu.memory_space<vmem>>) dst(%dma_wait3A_24 : memref<64x1024xf32, #tpu.memory_space<hbm>>)
        tpu.yield
      }) : () -> ()
    }
    %scan3A_7 = arith.constant 8 : i32
    return
  }
}

</mosaic_0001>

<sc_bundles>
// kernel: kernel.3.cloned.1.call-start
scs
__scs_entry_jumppad:
0x0: {  	(pc) =	sbr.rel $0x88, $3  }
0x1: {  	(tag) =	ssettag $0x0;
	lr =	simm.s32 $0x1  }
0x2: {  	[smem:$0x3F9F] =	sst lr;
	_ =	strace $0xD0000000  }
0x3: {  	_ = 	snop  }
0x4: {  	_ = 	snop  }
0x5: {  	_ = 	snop  }
0x6: {  	_ = 	snop  }
0x7: {  	_ = 	snop  }
__scs_overlays_trampoline_lowered:
0x8: {  	[smem:$0x3FAE] =	sst s0  }
0x9: {  	[smem:$0x3FAF] =	sst s1  }
0xa: {  	[smem:$0x3FB0] =	sst s2  }
0xb: {  	[smem:$0x3FB1] =	sst s3  }
0xc: {  	[smem:$0x3FB2] =	sst s4  }
0xd: {  	[smem:$0x3FB3] =	sst s5  }
0xe: {  	[smem:$0x3FB4] =	sst s6  }
0xf: {  	[smem:$0x3FB5] =	sst s7  }
0x10: {  	[smem:$0x3FB6] =	sst s8  }
0x11: {  	[smem:$0x3FB7] =	sst s9;
	s0 =	simm.s32 @!p0 $0x0  }
0x12: {  	s1 =	sld [smem:$0x3F9D];
	s0 =	simm.s32 @p0 $0x1  }
0x13: {  	[smem:$0x3FB8] =	sst s0;
	s0 =	simm.s32 @!p1 $0x0  }
0x14: {  	s2 =	sld [smem:$0x3F9C];
	s0 =	simm.s32 @p1 $0x1  }
0x15: {  	[smem:$0x3FB9] =	sst s0;
	s0 =	simm.s32 @!p2 $0x0  }
0x16: {  	s3 =	sld [smem:$0x3FDB];
	s0 =	simm.s32 @p2 $0x1  }
0x17: {  	s4 =	simm.s32 $0x1BF5;
	[smem:$0x3FBB] =	sst s0  }
0x18: {  	s0 =	sld [smem:$0x3F9E];
	_ =	swait.ge [sflag:s4], $0x0  }
0x19: {  	s7 =	sld [smem:$0x3F9F]  }
0x1a: {  	s8 =	sadd.s32 $0xFFFFE003, lr  }
0x1b: {  	s9 =	sadd.s32 $0xFFFFFEF7, lr;
	s5 =	simm.s32 $0xFFFFFFFF;
	p2 =	slt.u32 s8, $0xFFFFF086  }
0x1c: {  	p1 =	slt.u32 s9, $0xF7A;
	s5 =	simm.s32 @!p2 $0x0  }
0x1d: {  	s5 =	simm.s32 @p1 $0x1;
	p0 =	seq.s32 s7, s2  }
0x1e: {  	s7 =	smul.u32 @!p0 $0xF7A, s2;
	p2 =	seq.s32 @!p0 s5, $0x0  }
0x1f: {  	s9 =	smul.u32 $0xF7A, s1;
	s8 =	simm.s32 @!p0 $0x1BF5;
	p2 =	por !p2, p0  }
0x20: {  	[sflag:s8] =	ssyncset.s32 @!p0 $0xFFFFF086;
	s6 =	sadd.s32 @!p0 s3, s7;
	s7 =	simm.s32 @!p0 $0x108  }
0x21: {  	s3 =	sadd.s32 s3, s9;
	s6 =	sadd.s32 @!p0 $0x88, s6;
	s7 =	simm.s32 @p2 $0x1082  }
0x22: {  	[simem:s7], [sflag:s8] =	dma.local @!p0 [hbm:s6], $0xF7A  }
0x23: {  	s9 =	sor.u32 $0xD0000000, s2;
	s6 =	simm.s32 $0x108;
	_ =	swait.ge @!p0 [sflag:s8], $0x0  }
0x24: {  	s3 =	sadd.s32 $0x88, s3;
	s6 =	simm.s32 @!p1 $0x1082;
	[sflag:s4] =	ssyncset.s32 $0xFFFFF086  }
0x25: {  	[simem:s6], [sflag:s4] =	dma.local [hbm:s3], $0xF7A  }
0x26: {  	[smem:$0x3F9F] =	sst s1;
	(tag) =	ssettag s2;
	_ =	strace s9  }
0x27: {  	s1 =	sld [smem:$0x3FAF]  }
0x28: {  	s2 =	sld [smem:$0x3FB0]  }
0x29: {  	s4 =	sld [smem:$0x3FB2]  }
0x2a: {  	p0 =	seq.s32 s5, $0x0;
	s5 =	sld [smem:$0x3FB3]  }
0x2b: {  	s6 =	sld [smem:$0x3FB4]  }
0x2c: {  	s7 =	sld [smem:$0x3FB5]  }
0x2d: {  	s3 =	simm.s32 $0x108;
	s8 =	sld [smem:$0x3FB6]  }
0x2e: {  	s3 =	simm.s32 @!p0 $0x1082;
	s9 =	sld [smem:$0x3FB7]  }
0x2f: {  	lr =	sadd.s32 s0, s3;
	s0 =	sld [smem:$0x3FAE]  }
0x30: {  	s3 =	sld [smem:$0x3FB1]  }
0x31: {  	[smem:$0x3FBA] =	sst s10  }
0x32: {  	s10 =	sld [smem:$0x3FB8];
	_ =	sdelay $0x3  }
0x33: {  	p0 =	seq.s32 s10, $0x1;
	s10 =	sld [smem:$0x3FBA];
	_ =	sdelay $0x3  }
0x34: {  	[smem:$0x3FBA] =	sst s10  }
0x35: {  	s10 =	sld [smem:$0x3FB9];
	_ =	sdelay $0x3  }
0x36: {  	p1 =	seq.s32 s10, $0x1;
	s10 =	sld [smem:$0x3FBA];
	_ =	sdelay $0x3  }
0x37: {  	[smem:$0x3FBA] =	sst s10  }
0x38: {  	s10 =	sld [smem:$0x3FBB]  }
0x39: {  	_ = 	snop;
	(pc) =	sbr.ind lr, $3  }
0x3a: {  	_ = 	snop  }
0x3b: {  	_ = 	snop  }
0x3c: {  	p2 =	seq.s32 s10, $0x1;
	s10 =	sld [smem:$0x3FBA]  }
0x3d: {  	_ =	shalt  }
0x3e: {  	_ =	shalt  }
0x3f: {  	_ =	shalt  }
0x40: {  	_ =	shalt  }
0x41: {  	_ =	shalt  }
0x42: {  	_ =	shalt  }
0x43: {  	_ =	shalt  }
0x44: {  	_ =	shalt  }
0x45: {  	_ =	shalt  }
0x46: {  	_ =	shalt  }
0x47: {  	_ =	shalt  }
0x48: {  	_ =	shalt  }
0x49: {  	_ =	shalt  }
0x4a: {  	_ =	shalt  }
0x4b: {  	_ =	shalt  }
0x4c: {  	_ =	shalt  }
0x4d: {  	_ =	shalt  }
0x4e: {  	_ =	shalt  }
0x4f: {  	_ =	shalt  }
0x50: {  	_ =	shalt  }
0x51: {  	_ =	shalt  }
0x52: {  	_ =	shalt  }
0x53: {  	_ =	shalt  }
0x54: {  	_ =	shalt  }
0x55: {  	_ =	shalt  }
0x56: {  	_ =	shalt  }
0x57: {  	_ =	shalt  }
0x58: {  	_ =	shalt  }
0x59: {  	_ =	shalt  }
0x5a: {  	_ =	shalt  }
0x5b: {  	_ =	shalt  }
0x5c: {  	_ =	shalt  }
0x5d: {  	_ =	shalt  }
0x5e: {  	_ =	shalt  }
0x5f: {  	_ =	shalt  }
0x60: {  	_ =	shalt  }
0x61: {  	_ =	shalt  }
0x62: {  	_ =	shalt  }
0x63: {  	_ =	shalt  }
0x64: {  	_ =	shalt  }
0x65: {  	_ =	shalt  }
0x66: {  	_ =	shalt  }
0x67: {  	_ =	shalt  }
0x68: {  	_ =	shalt  }
0x69: {  	_ =	shalt  }
0x6a: {  	_ =	shalt  }
0x6b: {  	_ =	shalt  }
0x6c: {  	_ =	shalt  }
0x6d: {  	_ =	shalt  }
0x6e: {  	_ =	shalt  }
0x6f: {  	_ =	shalt  }
0x70: {  	_ =	shalt  }
0x71: {  	_ =	shalt  }
0x72: {  	_ =	shalt  }
0x73: {  	_ =	shalt  }
0x74: {  	_ =	shalt  }
0x75: {  	_ =	shalt  }
0x76: {  	_ =	shalt  }
0x77: {  	_ =	shalt  }
0x78: {  	_ =	shalt  }
0x79: {  	_ =	shalt  }
0x7a: {  	_ =	shalt  }
0x7b: {  	_ =	shalt  }
0x7c: {  	_ =	shalt  }
0x7d: {  	_ =	shalt  }
0x7e: {  	_ =	shalt  }
0x7f: {  	_ =	shalt  }
0x80: {  	_ =	shalt  }
0x81: {  	_ =	shalt  }
0x82: {  	_ =	shalt  }
0x83: {  	_ =	shalt  }
0x84: {  	_ =	shalt  }
0x85: {  	_ =	shalt  }
0x86: {  	_ =	shalt  }
0x87: {  	_ =	shalt  }
.Lfunc_end0:
.L_simem_size_0:
called_computation_lowered:
.L_overlay_start_0:
0x88: {  	s2 =	sld [smem:$0x3FD9]  }
0x89: {  	s3 =	sld [smem:$0x3FFE];
	_ =	sdelay $0x1  }
0x8a: {  	s1 =	srdreg.scid  }
0x8b: {  	s0 =	sand.u32 $0x1, s1  }
0x8c: {  	s17 =	sshll.u32 s0, $0xA;
	s2 =	sadd.s32 s3, s2  }
0x8d: {  	s2 =	sadd.s32 s2, s17  }
0x8e: {  	[smem:$0x3FC6] =	sst s2  }
0x8f: {  	_ = 	snop  }
0x90: {  	s2 =	sld [smem:$0x3FC9]  }
0x91: {  	s18 =	sld [smem:$0x3FC8]  }
0x92: {  	s4 =	sld [smem:$0x3FD0];
	(tm) =	ssettm $0x1  }
0x93: {  	s5 =	sld [smem:$0x3FFB];
	_ =	sdelay $0x3  }
0x94: {  	_ =	strace s5  }
0x95: {  	s5 =	sld [smem:$0x3FFC];
	_ =	sdelay $0x3  }
0x96: {  	_ =	strace s5  }
0x97: {  	s5 =	sld [smem:$0x3FFD];
	_ =	sdelay $0x3  }
0x98: {  	_ =	strace s5  }
0x99: {  	_ =	strace $0x8FFFFFFF  }
0x9a: {  	s19 =	sld [smem:$0x3FDB];
	_ =	sdelay $0x1  }
0x9b: {  	s6 =	simm.s32 $_scs_section_size  }
0x9c: {  	s7 =	simm.s32 $_size__tile_overlayer_lowered;
	s8 =	simm.s32 $_tile_overlayer_lowered  }
0x9d: {  	s22 =	simm.s32 $0x1BFF;
	s21 =	sshll.u32 s8, $0x1;
	s5 =	sadd.s32 s6, s19  }
0x9e: {  	s9 =	simm.s32 $0x0;
	s20 =	sshll.u32 s7, $0x1;
	s7 =	sadd.s32 s21, s5  }
0x9f: {  	[timem:s9], [sflag:s22] =	dma.local [hbm:s7], s20  }
0xa0: {  	_ =	swait.ge [sflag:s22], s20  }
0xa1: {  	s6 =	ssub.s32 $0x0, s20;
	[sflag:s22] =	ssyncset.done $0x0  }
0xa2: {  	[sflag:s22] =	ssyncadd.s32 s6;
	_ =	sdelay $0x1  }
0xa3: {  	s23 =	simm.s32 $0x1B8B  }
0xa4: {  	_ =	swait.ge [sflag:s23], $0x1  }
0xa5: {  	[sflag:s23] =	ssyncset.done $0x0  }
0xa6: {  	s25 =	simm.s32 $0x1B8E;
	s24 =	sld [smem:$0x3FFE];
	[sflag:s23] =	ssyncadd.s32 $0xFFFFFFFF  }
0xa7: {  	s26 =	simm.s32 $execute0_lowered;
	[smem:$0x3FD2] =	sst s25  }
0xa8: {  	s7 =	sshll.u32 s26, $0x1;
	_ =	strace $0x80000046;
	[dreg:$0x1] =	wrdreg $0xFFFFFFFF  }
0xa9: {  	s28 =	simm.s32 $_size_execute0_lowered;
	s5 =	sadd.s32 s5, s7;
	[dreg:$0x0] =	wrdreg $0x0  }
0xaa: {  	s7 =	sshll.u32 s28, $0x1;
	[dreg:$0x2] =	wrdreg s5  }
0xab: {  	[dreg:$0x3] =	wrdreg s7  }
0xac: {  	[dreg:$0x4] =	wrdreg $0xC0  }
0xad: {  	_ =	task [dreg:s9], $0x5FFFF  }
0xae: {  	[dreg:$0x1] =	wrdreg $0xFFFFFFFF  }
0xaf: {  	[dreg:$0x0] =	wrdreg $0x60  }
0xb0: {  	[dreg:$0x2] =	wrdreg s2  }
0xb1: {  	[dreg:$0x3] =	wrdreg s24  }
0xb2: {  	[dreg:$0x4] =	wrdreg s18  }
0xb3: {  	[dreg:$0x5] =	wrdreg s4  }
0xb4: {  	[dreg:$0x6] =	wrdreg $0x9  }
0xb5: {  	_ =	task.clear_ibuf [dreg:s9], $0x7FFFF;
	_ =	strace $0x90000046  }
0xb6: {  	s29 =	simm.s32 $0x9;
	_ =	strace $0x80000048  }
0xb7: {  	_ =	swait.ge [sflag:s29], $0x1  }
0xb8: {  	[sflag:s29] =	ssyncadd.s32 $0xFFFFFFFF  }
0xb9: {  	_ =	strace $0x90000048  }
0xba: {  	_ =	sfence  }
0xbb: {  	s30 =	sld [smem:$0x0];
	_ =	sdelay $0x2  }
0xbc: {  	s31 =	sshll.u32 s1, $0xD;
	s1 =	sshrl.u32 s1, $0x2  }
0xbd: {  	s3 =	sand.u32 $0x4000, s31;
	s1 =	sadd.s32 s1, s30  }
0xbe: {  	s0 =	sor.u32 s3, s0;
	s1 =	sshll.u32 s1, $0x11  }
0xbf: {  	s0 =	sor.u32 s1, s0  }
0xc0: {  	s0 =	sadd.s32 $0x8F2B, s0  }
0xc1: {  	[sflag:s0] =	ssyncadd.remote.s32 $0x1  }
0xc2: {  	_ =	sfence.sel $0xFFFF  }
0xc3: {  	[dreg:$0x0] =	wrdreg $0xFFFFFFFF;
	(pc) =	sbr.abs _section_cstart, $3  }
0xc4: {  	[dreg:$0x1] =	wrdreg $0xFFFFFFFF  }
0xc5: {  	_ =	task.clear_ibuf [dreg:s9], $0x2FFFF;
	_ =	strace $0x9FFFFFFF  }
0xc6: {  	(tm) =	ssettm $0x7FFFFFFF  }
0xc7: {  	_ =	shalt  }
tec
execute0_lowered:
.L_overlay_start_1:
0x0: {  	(tag) =	ssettag $0x1  }
0x1: {  	s4 =	rddreg [dreg:$0x0]  }
0x2: {  	s5 =	rddreg [dreg:$0x1]  }
0x3: {  	s1 =	rddreg [dreg:$0x2]  }
0x4: {  	s6 =	rddreg [dreg:$0x3];
	s2 =	simm.s32 $0x0  }
0x5: {  	[smem:$0x7FF] =	sst s2;
	s5 =	sadd.s32 $0x400, s5  }
0x6: {  	s10 =	simm.s32 $0x10000;
	_ =	strace $0x80000047;
	[dreg:$0x5] =	wrdreg s5  }
0x7: {  	s11 =	simm.s32 $0x800;
	[dreg:$0x8] =	wrdreg s10  }
0x8: {  	s12 =	simm.s32 $0x1000;
	[dreg:$0x9] =	wrdreg s11  }
0x9: {  	s13 =	simm.s32 $0x1800;
	[dreg:$0xa] =	wrdreg s12  }
0xa: {  	s3 =	srdreg.scid;
	s15 =	simm.s32 $0x2000;
	[dreg:$0xb] =	wrdreg s13  }
0xb: {  	s0 =	stileid.u32;
	s17 =	simm.s32 $0x2800;
	[dreg:$0xc] =	wrdreg s15  }
0xc: {  	s19 =	simm.s32 $0x3000;
	s21 =	simm.s32 $0x3800;
	[dreg:$0xd] =	wrdreg s17  }
0xd: {  	s22 =	simm.s32 $0x4000;
	s23 =	simm.s32 $0x4800;
	[dreg:$0xe] =	wrdreg s19  }
0xe: {  	s24 =	simm.s32 $0x5000;
	s26 =	simm.s32 $0x6000;
	[dreg:$0xf] =	wrdreg s21  }
0xf: {  	s30 =	simm.s32 $0x6800;
	s31 =	simm.s32 $0x7000;
	[dreg:$0x10] =	wrdreg s22  }
0x10: {  	s28 =	simm.s32 $0x1;
	s29 =	simm.s32 $0x0;
	[dreg:$0x11] =	wrdreg s23  }
0x11: {  	s7 =	sand.u32 $0x1, s3;
	s9 =	sshll.u32 s0, $0x10;
	[dreg:$0x12] =	wrdreg s24  }
0x12: {  	s8 =	sshll.u32 s7, $0x14;
	s14 =	ssub.s32 $0x2, s7;
	[dreg:$0x14] =	wrdreg s26  }
0x13: {  	s20 =	sshll.u32 s7, $0xD;
	s10 =	sshll.u32 s0, $0x9;
	[dreg:$0x15] =	wrdreg s30  }
0x14: {  	s5 =	sadd.s32 $0x200, s1;
	s11 =	simm.s32 $0x5800;
	[dreg:$0x16] =	wrdreg s31  }
0x15: {  	s12 =	simm.s32 $0x8800;
	s13 =	simm.s32 $0x9000;
	s15 =	simm.s32 $0xA000  }
0x16: {  	s17 =	simm.s32 $0xB000;
	s19 =	simm.s32 $0xC000;
	s21 =	simm.s32 $0xD000  }
0x17: {  	s22 =	simm.s32 $0xD800;
	s23 =	simm.s32 $0xE000;
	s24 =	simm.s32 $0xE800  }
0x18: {  	s26 =	simm.s32 $0xF800;
	s4 =	sadd.s32 s8, s4;
	s8 =	sadd.s32 s8, s6  }
0x19: {  	s16 =	sshrl.u32 s14, $0x1;
	s6 =	sadd.s32 $0x300, s1;
	[dreg:$0x13] =	wrdreg s11  }
0x1a: {  	s11 =	simm.s32 $0x8000;
	s4 =	sadd.s32 s9, s4;
	s9 =	sadd.s32 s9, s8  }
0x1b: {  	s18 =	ssub.s32 s14, s16;
	s14 =	simm.s32 $0x9800;
	[dreg:$0x6] =	wrdreg s4  }
0x1c: {  	s16 =	simm.s32 $0xA800;
	[dreg:$0x7] =	wrdreg s9;
	s4 =	sadd.s32 $0x100, s1  }
0x1d: {  	v2 =	vlaneseq.u32;
	s25 =	smax.u32 s18, $0x1;
	s9 =	sor.u32 s10, s20;
	s10 =	simm.s32 $0x7800  }
0x1e: {  	vm0 =	vmmov $0xffff;
	v1 =	vshrl.u32 v2, $0x3;
	s18 =	simm.s32 $0xB800;
	s20 =	simm.s32 $0xC800;
	[dreg:$0x17] =	wrdreg s25  }
0x1f: {  	v0 =	vand.u32 $0x7, v2;
	v2 =	vor.u32 $0x8, v2;
	v1 =	vmul.u32 $0x8, v1;
	s8 =	sshrl.u32 s9, $0x3;
	s9 =	simm.s32 $0x2;
	s25 =	simm.s32 $0xF000  }
.LBB2_1:
0x20: {  	s30 =	smov.u32 s8;
	s31 =	simm.s32 $0x0  }
.LBB2_2:
0x21: {  	s0 =	rddreg [dreg:$0x6]  }
0x22: {  	s0 =	sadd.s32 s31, s0  }
0x23: {  	[tilespmem:s2], [sflag:$0x2] =	stream.linear.gather [hbm4b:s0+s2], $0x10000, $0x38;
	[tilespmem:$0x10080] =	vst v63  }
0x24: {  	_ =	swait.ge [sflag:s9], $0x10000  }
0x25: {  	s7 =	sand.u32 $0x1F8, s30;
	s0 =	rddreg [dreg:$0x5];
	[sflag:s9] =	ssyncset.done $0x0  }
0x26: {  	s3 =	rddreg [dreg:$0x8];
	s0 =	sadd.s32 s0, s7;
	[sflag:s9] =	ssyncadd.s32 $0xFFFF0000  }
0x27: {  	[tilespmem:s3], [sflag:$0x2] =	stream.linear.gather [hbm4b:s0+s2], $0x40, $0x38;
	[tilespmem:$0x10080] =	vst v63  }
0x28: {  	_ =	swait.ge [sflag:s9], $0x40  }
0x29: {  	[sflag:s9] =	ssyncset.done $0x0  }
0x2a: {  	[sflag:s9] =	ssyncadd.s32 $0xFFFFFFC0  }
0x2b: {  	v3 =	vld [tilespmem:$0x10000];
	_ =	sdelay $0x4  }
0x2c: {  	v4 =	vshll.u32 v3, $0x3  }
0x2d: {  	v3 =	vand.u32 $0x7, v3;
	v4 =	vand.u32 $0xFFFFFFC0, v4  }
0x2e: {  	v3 =	vor.u32 v3, v4  }
0x2f: {  	v4 =	vperm.xlane v3, v0;
	_ =	sdelay $0x1  }
0x30: {  	v4 =	vadd.s32 v1, v4;
	_ =	sdelay $0x4  }
0x31: {  	[tilespmem:s2], [sflag:$0x1] =	stream.indirect_vreg.gather [hbm4b:s1+s2], $0x80, v4, vm0, $0xb8;
	[tilespmem:$0x10080] =	vst v63  }
0x32: {  	s7 =	rddreg [dreg:$0x9];
	v3 =	vperm.xlane v3, v2  }
0x33: {  	[tilespmem:s7], [sflag:$0x1] =	stream.indirect_vreg.gather [hbm4b:s4+s2], $0x80, v4, vm0, $0xb8;
	[tilespmem:$0x10080] =	vst v63  }
0x34: {  	s3 =	rddreg [dreg:$0xa];
	v3 =	vadd.s32 v1, v3  }
0x35: {  	[tilespmem:s3], [sflag:$0x1] =	stream.indirect_vreg.gather [hbm4b:s5+s2], $0x80, v4, vm0, $0xb8;
	[tilespmem:$0x10080] =	vst v63  }
0x36: {  	s7 =	rddreg [dreg:$0xb]  }
0x37: {  	[tilespmem:s7], [sflag:$0x1] =	stream.indirect_vreg.gather [hbm4b:s6+s2], $0x80, v4, vm0, $0xb8;
	[tilespmem:$0x10080] =	vst v63  }
0x38: {  	s3 =	rddreg [dreg:$0xc]  }
0x39: {  	[tilespmem:s3], [sflag:$0x1] =	stream.indirect_vreg.gather [hbm4b:s1+s2], $0x80, v3, vm0, $0xb8;
	[tilespmem:$0x10080] =	vst v63  }
0x3a: {  	s7 =	rddreg [dreg:$0xd]  }
0x3b: {  	[tilespmem:s7], [sflag:$0x1] =	stream.indirect_vreg.gather [hbm4b:s4+s2], $0x80, v3, vm0, $0xb8;
	[tilespmem:$0x10080] =	vst v63  }
0x3c: {  	s3 =	rddreg [dreg:$0xe]  }
0x3d: {  	[tilespmem:s3], [sflag:$0x1] =	stream.indirect_vreg.gather [hbm4b:s5+s2], $0x80, v3, vm0, $0xb8;
	[tilespmem:$0x10080] =	vst v63  }
0x3e: {  	s7 =	rddreg [dreg:$0xf]  }
0x3f: {  	[tilespmem:s7], [sflag:$0x1] =	stream.indirect_vreg.gather [hbm4b:s6+s2], $0x80, v3, vm0, $0xb8;
	[tilespmem:$0x10080] =	vst v63  }
0x40: {  	v3 =	vld [tilespmem:$0x10010];
	_ =	sdelay $0x4  }
0x41: {  	v61 =	vshll.u32 v3, $0x3  }
0x42: {  	v3 =	vand.u32 $0x7, v3;
	v4 =	vand.u32 $0xFFFFFFC0, v61  }
0x43: {  	v3 =	vor.u32 v3, v4  }
0x44: {  	v4 =	vperm.xlane v3, v0;
	_ =	sdelay $0x1  }
0x45: {  	v4 =	vadd.s32 v1, v4;
	_ =	sdelay $0x3  }
0x46: {  	s7 =	rddreg [dreg:$0x10]  }
0x47: {  	[tilespmem:s7], [sflag:$0x1] =	stream.indirect_vreg.gather [hbm4b:s1+s2], $0x80, v4, vm0, $0xb8;
	[tilespmem:$0x10080] =	vst v63  }
0x48: {  	s3 =	rddreg [dreg:$0x11];
	v3 =	vperm.xlane v3, v2  }
0x49: {  	[tilespmem:s3], [sflag:$0x1] =	stream.indirect_vreg.gather [hbm4b:s4+s2], $0x80, v4, vm0, $0xb8;
	[tilespmem:$0x10080] =	vst v63  }
0x4a: {  	v3 =	vadd.s32 v1, v3;
	s7 =	rddreg [dreg:$0x12]  }
0x4b: {  	[tilespmem:s7], [sflag:$0x1] =	stream.indirect_vreg.gather [hbm4b:s5+s2], $0x80, v4, vm0, $0xb8;
	[tilespmem:$0x10080] =	vst v63  }
0x4c: {  	s3 =	rddreg [dreg:$0x13]  }
0x4d: {  	[tilespmem:s3], [sflag:$0x1] =	stream.indirect_vreg.gather [hbm4b:s6+s2], $0x80, v4, vm0, $0xb8;
	[tilespmem:$0x10080] =	vst v63  }
0x4e: {  	s7 =	rddreg [dreg:$0x14]  }
0x4f: {  	[tilespmem:s7], [sflag:$0x1] =	stream.indirect_vreg.gather [hbm4b:s1+s2], $0x80, v3, vm0, $0xb8;
	[tilespmem:$0x10080] =	vst v63  }
0x50: {  	s3 =	rddreg [dreg:$0x15]  }
0x51: {  	[tilespmem:s3], [sflag:$0x1] =	stream.indirect_vreg.gather [hbm4b:s4+s2], $0x80, v3, vm0, $0xb8;
	[tilespmem:$0x10080] =	vst v63  }
0x52: {  	s7 =	rddreg [dreg:$0x16]  }
0x53: {  	[tilespmem:s7], [sflag:$0x1] =	stream.indirect_vreg.gather [hbm4b:s5+s2], $0x80, v3, vm0, $0xb8;
	[tilespmem:$0x10080] =	vst v63  }
0x54: {  	_ = 	snop  }
0x55: {  	[tilespmem:s10], [sflag:$0x1] =	stream.indirect_vreg.gather [hbm4b:s6+s2], $0x80, v3, vm0, $0xb8;
	[tilespmem:$0x10080] =	vst v63  }
0x56: {  	v3 =	vld [tilespmem:$0x10020];
	_ =	sdelay $0x4  }
0x57: {  	v62 =	vshll.u32 v3, $0x3  }
0x58: {  	v3 =	vand.u32 $0x7, v3;
	v4 =	vand.u32 $0xFFFFFFC0, v62  }
0x59: {  	v3 =	vor.u32 v3, v4  }
0x5a: {  	v4 =	vperm.xlane v3, v0;
	_ =	sdelay $0x1  }
0x5b: {  	v4 =	vadd.s32 v1, v4;
	_ =	sdelay $0x4  }
0x5c: {  	[tilespmem:s11], [sflag:$0x1] =	stream.indirect_vreg.gather [hbm4b:s1+s2], $0x80, v4, vm0, $0xb8;
	[tilespmem:$0x10080] =	vst v63  }
0x5d: {  	v3 =	vperm.xlane v3, v2  }
0x5e: {  	[tilespmem:s12], [sflag:$0x1] =	stream.indirect_vreg.gather [hbm4b:s4+s2], $0x80, v4, vm0, $0xb8;
	[tilespmem:$0x10080] =	vst v63  }
0x5f: {  	v3 =	vadd.s32 v1, v3  }
0x60: {  	[tilespmem:s13], [sflag:$0x1] =	stream.indirect_vreg.gather [hbm4b:s5+s2], $0x80, v4, vm0, $0xb8;
	[tilespmem:$0x10080] =	vst v63  }
0x61: {  	_ = 	snop  }
0x62: {  	[tilespmem:s14], [sflag:$0x1] =	stream.indirect_vreg.gather [hbm4b:s6+s2], $0x80, v4, vm0, $0xb8;
	[tilespmem:$0x10080] =	vst v63  }
0x63: {  	_ = 	snop  }
0x64: {  	[tilespmem:s15], [sflag:$0x1] =	stream.indirect_vreg.gather [hbm4b:s1+s2], $0x80, v3, vm0, $0xb8;
	[tilespmem:$0x10080] =	vst v63  }
0x65: {  	_ = 	snop  }
0x66: {  	[tilespmem:s16], [sflag:$0x1] =	stream.indirect_vreg.gather [hbm4b:s4+s2], $0x80, v3, vm0, $0xb8;
	[tilespmem:$0x10080] =	vst v63  }
0x67: {  	_ = 	snop  }
0x68: {  	[tilespmem:s17], [sflag:$0x1] =	stream.indirect_vreg.gather [hbm4b:s5+s2], $0x80, v3, vm0, $0xb8;
	[tilespmem:$0x10080] =	vst v63  }
0x69: {  	_ = 	snop  }
0x6a: {  	[tilespmem:s18], [sflag:$0x1] =	stream.indirect_vreg.gather [hbm4b:s6+s2], $0x80, v3, vm0, $0xb8;
	[tilespmem:$0x10080] =	vst v63  }
0x6b: {  	v3 =	vld [tilespmem:$0x10030];
	_ =	sdelay $0x4  }
0x6c: {  	v63 =	vshll.u32 v3, $0x3  }
0x6d: {  	v3 =	vand.u32 $0x7, v3;
	v4 =	vand.u32 $0xFFFFFFC0, v63  }
0x6e: {  	v3 =	vor.u32 v3, v4  }
0x6f: {  	v4 =	vperm.xlane v3, v0;
	_ =	sdelay $0x1  }
0x70: {  	v4 =	vadd.s32 v1, v4;
	_ =	sdelay $0x4  }
0x71: {  	[tilespmem:s19], [sflag:$0x1] =	stream.indirect_vreg.gather [hbm4b:s1+s2], $0x80, v4, vm0, $0xb8;
	[tilespmem:$0x10080] =	vst v63  }
0x72: {  	v3 =	vperm.xlane v3, v2  }
0x73: {  	[tilespmem:s20], [sflag:$0x1] =	stream.indirect_vreg.gather [hbm4b:s4+s2], $0x80, v4, vm0, $0xb8;
	[tilespmem:$0x10080] =	vst v63  }
0x74: {  	v3 =	vadd.s32 v1, v3  }
0x75: {  	[tilespmem:s21], [sflag:$0x1] =	stream.indirect_vreg.gather [hbm4b:s5+s2], $0x80, v4, vm0, $0xb8;
	[tilespmem:$0x10080] =	vst v63  }
0x76: {  	_ = 	snop  }
0x77: {  	[tilespmem:s22], [sflag:$0x1] =	stream.indirect_vreg.gather [hbm4b:s6+s2], $0x80, v4, vm0, $0xb8;
	[tilespmem:$0x10080] =	vst v63  }
0x78: {  	_ = 	snop  }
0x79: {  	[tilespmem:s23], [sflag:$0x1] =	stream.indirect_vreg.gather [hbm4b:s1+s2], $0x80, v3, vm0, $0xb8;
	[tilespmem:$0x10080] =	vst v63  }
0x7a: {  	_ = 	snop  }
0x7b: {  	[tilespmem:s24], [sflag:$0x1] =	stream.indirect_vreg.gather [hbm4b:s4+s2], $0x80, v3, vm0, $0xb8;
	[tilespmem:$0x10080] =	vst v63  }
0x7c: {  	_ = 	snop  }
0x7d: {  	[tilespmem:s25], [sflag:$0x1] =	stream.indirect_vreg.gather [hbm4b:s5+s2], $0x80, v3, vm0, $0xb8;
	[tilespmem:$0x10080] =	vst v63  }
0x7e: {  	_ = 	snop  }
0x7f: {  	[tilespmem:s26], [sflag:$0x1] =	stream.indirect_vreg.gather [hbm4b:s6+s2], $0x80, v3, vm0, $0xb8;
	[tilespmem:$0x10080] =	vst v63  }
0x80: {  	_ =	swait.ge [sflag:s28], $0x10000  }
0x81: {  	p0 =	sne.s32 s31, $0xE000;
	s7 =	rddreg [dreg:$0x7];
	[sflag:s28] =	ssyncset.done $0x0  }
.Ltmp0:
0x82: {  	[sflag:s28] =	ssyncadd.s32 $0xFFFF0000;
	s0 =	sadd.s32 s31, s7;
	(pc) =	sbr.rel @p0 .LBB2_2-.Ltmp0, $4  }
0x83: {  	[hbm4b:s0+s2] =	stream.linear.scatter [tilespmem:s2], [sflag:$0x2], $0x10000, $0x38;
	[tilespmem:$0x10080] =	vst v63  }
0x84: {  	_ =	swait.ge [sflag:s9], $0x10000  }
0x85: {  	[sflag:s9] =	ssyncset.done $0x0  }
0x86: {  	s30 =	sadd.s32 $0x8, s30;
	s31 =	sadd.s32 $0x2000, s31;
	[sflag:s9] =	ssyncadd.s32 $0xFFFF0000  }
0x87: {  	s29 =	sadd.s32 $0x1, s29;
	s0 =	rddreg [dreg:$0x17]  }
0x88: {  	p0 =	sne.s32 s29, s0  }
.Ltmp1:
0x89: {  	_ = 	snop;
	(pc) =	sbr.rel @p0 .LBB2_1-.Ltmp1, $1  }
0x8a: {  	_ =	sdelay $0x3  }
0x8b: {  	_ =	sfence.sel $0x180000  }
0x8c: {  	[bflag:$0x0] =	sbarrier.arrive $0xFFFF  }
0x8d: {  	_ =	strace $0x90000047  }
0x8e: {  	s0 =	stileid.u32;
	[bflag:$0x2] =	sbarrier.arrive $0xFFFF  }
0x8f: {  	p0 =	sne.s32 s0, $0x0;
	s0 =	rddreg [dreg:$0x4]  }
0x90: {  	s0 =	sadd.s32 @!p0 $0x100000, s0  }
0x91: {  	[sflag:s0] =	ssyncadd.tile.s32 @!p0 $0x1;
	_ =	shalt  }
.Lfunc_end2:
_tile_overlayer_lowered:
.L_overlay_start_2:
0x92: {  	(tag) =	ssettag $0x2  }
0x93: {  	s0 =	rddreg [dreg:$0x0];
	s2 =	stileid.u32  }
0x94: {  	s1 =	rddreg [dreg:$0x1];
	p0 =	sne.s32 s2, $0x0  }
0x95: {  	s3 =	rddreg [dreg:$0x2];
	[bflag:$0x3] =	sbarrier.arrive $0xFFFF;
	s2 =	simm.s32 @!p0 $0x1C02  }
0x96: {  	[timem:s3], [sflag:s2] =	dma.local @!p0 [hbm:s0], s1  }
0x97: {  	s0 =	simm.s32 @!p0 $0x2  }
0x98: {  	_ =	swait.ge @!p0 [sflag:s0], s1  }
0x99: {  	s1 =	ssub.s32 @!p0 $0x0, s1;
	[sflag:s0] =	ssyncset.done @!p0 $0x0  }
0x9a: {  	[sflag:s0] =	ssyncadd.s32 @!p0 s1  }
0x9b: {  	[bflag:$0x3] =	sbarrier.arrive $0xFFFF  }
0x9c: {  	_ =	shalt  }

</sc_bundles>
